<compile_context>
chip_gen: v7x
topology: tpu7x:2x2x1
jax: 0.10.2.dev20260603
libtpu: 0.0.44.dev20260713+nightly
codegen_flags: <defaults>
</compile_context>

<pallas_src>
import functools

import jax
import jax.numpy as jnp
from jax import lax
from jax.experimental import pallas as pl
from jax.experimental.pallas import tpu as pltpu
from jax.experimental.pallas import tpu_sc as plsc

K = 1024
D = 256
B = 8192
CHUNK = 512
NCHUNK = B // CHUNK
TOL2 = 0.25

_NC = 2
_NS = 16
_NW = _NC * _NS
_BPW = K // _NW


def _col2row(v):
    n = v.shape[0]
    eye = (lax.broadcasted_iota(jnp.int32, (n, n), 0)
           == lax.broadcasted_iota(jnp.int32, (n, n), 1))
    filled = jnp.where(eye, jnp.broadcast_to(v, (n, n)), -jnp.inf)
    return jnp.max(filled, axis=0, keepdims=True)


def _row2col(v):
    n = v.shape[1]
    eye = (lax.broadcasted_iota(jnp.int32, (n, n), 0)
           == lax.broadcasted_iota(jnp.int32, (n, n), 1))
    filled = jnp.where(eye, jnp.broadcast_to(v, (n, n)), -jnp.inf)
    return jnp.max(filled, axis=1, keepdims=True)


def _gather_rows(table, idx):
    mesh = plsc.VectorSubcoreMesh(core_axis_name="c", subcore_axis_name="s")

    @functools.partial(
        pl.kernel,
        mesh=mesh,
        out_type=jax.ShapeDtypeStruct((K, D), jnp.float32),
        scratch_types=[
            pltpu.VMEM((_BPW,), jnp.int32),
            pltpu.VMEM((_BPW, D), jnp.float32),
            pltpu.SemaphoreType.DMA,
        ],
    )
    def gather_kernel(table_hbm, idx_hbm, out_hbm, idx_v, rows_v, sem):
        wid = lax.axis_index("s") * _NC + lax.axis_index("c")
        base = wid * _BPW
        pltpu.sync_copy(idx_hbm.at[pl.ds(base, _BPW)], idx_v)
        pltpu.async_copy(table_hbm.at[idx_v], rows_v, sem).wait()
        pltpu.sync_copy(rows_v, out_hbm.at[pl.ds(base, _BPW)])

    return gather_kernel(table, idx)


def _fused_body(x_ref, c_ref, repl_ref, pc_col_ref, pc_row_ref, batch_hbm,
                out_ref, counts_ref, sums_ref, c2r_ref, far_ref, xbuf, dsem):
    step = pl.program_id(0)

    @pl.when(step == 0)
    def _init():
        counts_ref[...] = jnp.zeros_like(counts_ref)
        sums_ref[...] = jnp.zeros_like(sums_ref)
        c = c_ref[...]
        c2r_ref[...] = _col2row(jnp.sum(c * c, axis=1, keepdims=True))

    @pl.when(step < NCHUNK)
    def _assign_step():
        x = x_ref[...]
        g = lax.dot_general(x, c_ref[...], (((1,), (1,)), ((), ())),
                            preferred_element_type=jnp.float32)
        d2 = c2r_ref[...] - 2.0 * g
        dmin = jnp.min(d2, axis=1, keepdims=True)
        onehot = jnp.where(d2 == dmin, 1.0, 0.0)
        counts_ref[...] += jnp.sum(onehot, axis=0, keepdims=True)
        sums_ref[...] += lax.dot_general(
            onehot.astype(jnp.bfloat16), x.astype(jnp.bfloat16),
            (((0,), (0,)), ((), ())),
            preferred_element_type=jnp.float32)

    @pl.when(step == NCHUNK)
    def _final_step():
        centers = c_ref[...]
        prev_c = pc_col_ref[...]
        prev_r = pc_row_ref[...]
        row_i = lax.broadcasted_iota(jnp.int32, (K, K), 0)
        col_i = lax.broadcasted_iota(jnp.int32, (K, K), 1)
        cb_r = counts_ref[...]
        cb_c = _row2col(cb_r)

        empty_c = (prev_c == 0.0) & (cb_c == 0.0)
        cb2_c = jnp.where(empty_c, 1.0, cb_c)
        empty_r = (prev_r == 0.0) & (cb_r == 0.0)
        cb2_r = jnp.where(empty_r, 1.0, cb_r)
        sums = jnp.where(empty_c, repl_ref[...], sums_ref[...])
        nc_c = prev_c + cb2_c
        nc_r = prev_r + cb2_r
        mask_c = cb2_c > 0.0
        safe_den = jnp.where(nc_c > 0.0, nc_c, 1.0)
        updated = (centers * prev_c + sums) / safe_den
        c1 = jnp.where(mask_c, updated, centers)
        out_ref[...] = c1

        g = lax.dot_general(c1, c1, (((1,), (1,)), ((), ())),
                            preferred_element_type=jnp.float32)
        c12_c = jnp.sum(c1 * c1, axis=1, keepdims=True)
        c12_r = _col2row(c12_c)
        p2 = c12_c + c12_r - 2.0 * g
        close = p2 < TOL2
        lose_hi = jnp.where(close & (col_i > row_i) & (nc_c <= nc_r),
                            1.0, 0.0)
        lose_lo = jnp.where(close & (col_i < row_i) & (nc_c < nc_r),
                            1.0, 0.0)
        lm_c = jnp.max(jnp.maximum(lose_hi, lose_lo),
                       axis=1, keepdims=True)
        nloser = jnp.sum(lm_c)

        @pl.when(nloser > 0.5)
        def _replace():
            def load_chunk(t):
                cp = pltpu.make_async_copy(
                    batch_hbm.at[pl.ds(t * CHUNK, CHUNK), :], xbuf, dsem)
                cp.start()
                cp.wait()
                return xbuf[...]

            def far_chunk(t, carry):
                x = load_chunk(t)
                a2_r = _col2row(jnp.sum(x * x, axis=1, keepdims=True))
                gt = lax.dot_general(c1, x, (((1,), (1,)), ((), ())),
                                     preferred_element_type=jnp.float32)
                d2 = a2_r + c12_c - 2.0 * gt
                far_ref[pl.ds(t, 1), :] = jnp.max(d2, axis=0, keepdims=True)
                return carry

            lax.fori_loop(0, NCHUNK, far_chunk, 0)
            far = far_ref[...]
            fif = (lax.broadcasted_iota(jnp.int32, (NCHUNK, CHUNK), 0) * CHUNK
                   + lax.broadcasted_iota(jnp.int32, (NCHUNK, CHUNK), 1)
                   ).astype(jnp.float32)

            def pick(r, carry):
                f, top = carry
                m = jnp.max(f)
                idx = jnp.min(jnp.where(f == m, fif, jnp.float32(B)))
                top = jnp.where(
                    lax.broadcasted_iota(jnp.int32, (K, 1), 0) == r, idx, top)
                f = jnp.where(fif == idx, -jnp.inf, f)
                return f, top

            _, top = lax.fori_loop(
                0, nloser.astype(jnp.int32), pick,
                (far, jnp.zeros((K, 1), jnp.float32)))

            ltri = (row_i >= col_i).astype(jnp.float32)
            ranks = lax.dot_general(ltri, lm_c, (((1,), (0,)), ((), ())),
                                    preferred_element_type=jnp.float32) - 1.0
            ranks = jnp.maximum(ranks, 0.0)
            oh = (ranks == col_i.astype(jnp.float32)).astype(jnp.float32)
            gidx = lax.dot_general(oh, top, (((1,), (0,)), ((), ())),
                                   preferred_element_type=jnp.float32)

            def repl_chunk(t, acc):
                x = load_chunk(t)
                base = lax.convert_element_type(t * CHUNK, jnp.float32)
                cols = lax.broadcasted_iota(
                    jnp.int32, (K, CHUNK), 1).astype(jnp.float32) + base
                sel = (gidx == cols).astype(jnp.float32)
                return acc + lax.dot_general(
                    sel, x, (((1,), (0,)), ((), ())),
                    preferred_element_type=jnp.float32)

            repl2 = lax.fori_loop(0, NCHUNK, repl_chunk,
                                  jnp.zeros((K, D), jnp.float32))
            out_ref[...] = jnp.where(lm_c > 0.5, repl2, out_ref[...])


def _fused(batch, centers, replacement, pc_col, pc_row):
    return pl.pallas_call(
        _fused_body,
        grid=(NCHUNK + 1,),
        in_specs=[
            pl.BlockSpec((CHUNK, D), lambda i: (jnp.minimum(i, NCHUNK - 1), 0)),
            pl.BlockSpec((K, D), lambda i: (0, 0)),
            pl.BlockSpec((K, D), lambda i: (0, 0)),
            pl.BlockSpec((K, 1), lambda i: (0, 0)),
            pl.BlockSpec((1, K), lambda i: (0, 0)),
            pl.BlockSpec(memory_space=pltpu.MemorySpace.HBM),
        ],
        out_specs=pl.BlockSpec((K, D), lambda i: (0, 0)),
        out_shape=jax.ShapeDtypeStruct((K, D), jnp.float32),
        scratch_shapes=[
            pltpu.VMEM((1, K), jnp.float32),
            pltpu.VMEM((K, D), jnp.float32),
            pltpu.VMEM((1, K), jnp.float32),
            pltpu.VMEM((NCHUNK, CHUNK), jnp.float32),
            pltpu.VMEM((CHUNK, D), jnp.float32),
            pltpu.SemaphoreType.DMA,
        ],
        compiler_params=pltpu.CompilerParams(
            dimension_semantics=("arbitrary",)),
    )(batch, centers, replacement, pc_col, pc_row, batch)


def kernel(batch, cluster_centers, cluster_counts):
    repl_idx = jax.random.randint(jax.random.key(1), (K,), 0, B)
    replacement = _gather_rows(batch, repl_idx.astype(jnp.int32))
    pc_col = cluster_counts.reshape(K, 1)
    pc_row = cluster_counts.reshape(1, K)
    return _fused(batch, cluster_centers, replacement, pc_col, pc_row)

# --- scband reference (transcript-rebuilt; emitter-appended) ---
"""Pipeline reference for scband-mini-batch-kmeans-17188459119174 (READ-ONLY COPY).

The authoritative reference and input builder live on the scoring server;
editing this copy changes nothing except your own understanding.
"""

import jax, jax.numpy as jnp
import numpy as np

K = 1024
D = 256
B = 8192
COLLAPSE_TOL = 0.5


def _cdist(a, b):
    a2 = jnp.sum(a * a, axis=1, keepdims=True)
    b2 = jnp.sum(b * b, axis=1)
    d2 = a2 + b2[None, :] - 2.0 * (a @ b.T)
    return jnp.sqrt(jnp.maximum(d2, 0.0))


def setup_inputs(seed: int = 0) -> dict:
    key = jax.random.key(seed)
    k1, k2, k3 = jax.random.split(key, 3)
    batch = jax.random.normal(k1, (B, D), dtype=jnp.float32)
    cluster_centers = jax.random.normal(k2, (K, D), dtype=jnp.float32)
    cluster_counts = jax.random.randint(k3, (K,), 0, 50).astype(jnp.float32)
    return {"batch": batch, "cluster_centers": cluster_centers, "cluster_counts": cluster_counts}


def reference(batch, cluster_centers, cluster_counts):
    k = cluster_centers.shape[0]
    n = batch.shape[0]
    # --- partial_fit step ---
    distances = jax.lax.stop_gradient(_cdist(batch, cluster_centers))  # feeds argmin only
    assignments = jnp.argmin(distances, axis=1)
    counts_batch = jnp.bincount(assignments, length=k).astype(batch.dtype)
    sums_batch = jnp.zeros_like(cluster_centers).at[assignments].add(batch)
    prev_counts = cluster_counts
    empty = (prev_counts == 0) & (counts_batch == 0)
    # deterministic stand-in for torch.randint replacement sampling
    repl_idx = jax.random.randint(jax.random.key(1), (k,), 0, n)
    replacement = batch[repl_idx]
    counts_batch = jnp.where(empty, jnp.asarray(1.0, batch.dtype), counts_batch)
    sums_batch = jnp.where(empty[:, None], replacement, sums_batch)
    new_counts = prev_counts + counts_batch
    mask = counts_batch > 0
    safe_den = jnp.where(new_counts > 0, new_counts, 1.0)[:, None]
    updated = (cluster_centers * prev_counts[:, None] + sums_batch) / safe_den
    centers1 = jnp.where(mask[:, None], updated, cluster_centers)
    # --- split collapsed centers ---
    pairwise = jax.lax.stop_gradient(_cdist(centers1, centers1))
    close = jnp.triu(pairwise < COLLAPSE_TOL, k=1)
    cnt_le = new_counts[:, None] <= new_counts[None, :]
    loser_i = jnp.any(close & cnt_le, axis=1)
    loser_j = jnp.any(close & (~cnt_le), axis=0)
    loser_mask = loser_i | loser_j
    cand_dist = jax.lax.stop_gradient(_cdist(batch, centers1))
    farthest = jnp.max(cand_dist, axis=1)
    order = jnp.argsort(-farthest)
    loser_rank = jnp.cumsum(loser_mask.astype(jnp.int32)) - 1
    loser_rank = jnp.clip(loser_rank, 0, n - 1)
    repl2 = batch[order[loser_rank]]
    centers2 = jnp.where(loser_mask[:, None], repl2, centers1)
    return centers2

if __name__ == "__main__":
    import jax
    _d = setup_inputs()
    print(jax.jit(kernel)(*tuple(_d.values())))

</pallas_src>

<mosaic_0001>
#map = affine_map<(d0, d1) -> (0, 0)>
#map1 = affine_map<(d0, d1) -> (0)>
module attributes {stable_mosaic.version = 14 : i64} {
  func.func @gather_kernel(%arg0: i32, %arg1: i32, %arg2: memref<8192x256xf32, #tpu.memory_space<hbm>>, %arg3: memref<1024xi32, #tpu.memory_space<hbm>>, %arg4: memref<1024x256xf32, #tpu.memory_space<hbm>>, %arg5: memref<32xi32, #tpu.memory_space<vmem>>, %arg6: memref<32x256xf32, #tpu.memory_space<vmem>>, %arg7: memref<!tpu.dma_semaphore, #tpu.memory_space<semaphore_mem>>) attributes {dimension_semantics = [#tpu.dimension_semantics<core_parallel>, #tpu.dimension_semantics<subcore_parallel>], iteration_bounds = array<i64: 2, 16>, scalar_prefetch = 0 : i64, scratch_operands = 3 : i64, tpu.core_type = #tpu.core_type<sc_vector_subcore>, window_params = [{transform_indices = #map}, {transform_indices = #map1}, {transform_indices = #map}]} {
    %mul3A = arith.constant 2 : i32
    %mul3A_0 = arith.muli %arg1, %mul3A : i32
    %add3A = arith.addi %mul3A_0, %arg0 : i32
    %mul3A_1 = arith.constant 32 : i32
    %mul3A_2 = arith.muli %add3A, %mul3A_1 : i32
    "tpu.region"() ({
      %run_scoped3A = tpu.sem_alloc : memref<!tpu.dma_semaphore, #tpu.memory_space<semaphore_mem>>
      %dma_start3A_7 = tpu.memref_slice %arg3[%mul3A_2] : memref<1024xi32, #tpu.memory_space<hbm>> -> memref<32xi32, #tpu.memory_space<hbm>>
      %dma_start3A_8 = tpu.memref_slice %arg3[%mul3A_2] : memref<1024xi32, #tpu.memory_space<hbm>> -> memref<32xi32, #tpu.memory_space<hbm>>
      tpu.enqueue_dma source(%dma_start3A_8 : memref<32xi32, #tpu.memory_space<hbm>>) target(%arg5 : memref<32xi32, #tpu.memory_space<vmem>>) target_semaphore(%run_scoped3A : memref<!tpu.dma_semaphore, #tpu.memory_space<semaphore_mem>>)
      %dma_wait3A_9 = tpu.memref_slice %arg3[%mul3A_2] : memref<1024xi32, #tpu.memory_space<hbm>> -> memref<32xi32, #tpu.memory_space<hbm>>
      %dma_wait3A_10 = tpu.memref_slice %arg3[%mul3A_2] : memref<1024xi32, #tpu.memory_space<hbm>> -> memref<32xi32, #tpu.memory_space<hbm>>
      tpu.wait_dma2 semaphore(%run_scoped3A : memref<!tpu.dma_semaphore, #tpu.memory_space<semaphore_mem>>) src(%dma_wait3A_10 : memref<32xi32, #tpu.memory_space<hbm>>) dst(%arg5 : memref<32xi32, #tpu.memory_space<vmem>>)
      tpu.yield
    }) : () -> ()
    %dma_start3A = arith.constant 0 : i32
    %dma_start3A_3 = arith.constant 0 : i32
    %dma_start3A_4 = tpu.memref_slice %arg2[%dma_start3A, %dma_start3A_3] : memref<8192x256xf32, #tpu.memory_space<hbm>> -> memref<8192x256xf32, #tpu.memory_space<hbm>>
    tpu.enqueue_indirect_dma source(%dma_start3A_4 : memref<8192x256xf32, #tpu.memory_space<hbm>>) target(%arg6 : memref<32x256xf32, #tpu.memory_space<vmem>>) offsets(%arg5 : memref<32xi32, #tpu.memory_space<vmem>>) semaphore(%arg7 : memref<!tpu.dma_semaphore, #tpu.memory_space<semaphore_mem>>)
    %dma_wait3A = arith.constant 0 : i32
    %dma_wait3A_5 = arith.constant 0 : i32
    %dma_wait3A_6 = tpu.memref_slice %arg2[%dma_wait3A, %dma_wait3A_5] : memref<8192x256xf32, #tpu.memory_space<hbm>> -> memref<8192x256xf32, #tpu.memory_space<hbm>>
    tpu.wait_indirect_dma semaphore(%arg7 : memref<!tpu.dma_semaphore, #tpu.memory_space<semaphore_mem>>) src(%dma_wait3A_6 : memref<8192x256xf32, #tpu.memory_space<hbm>>) dst(%arg6 : memref<32x256xf32, #tpu.memory_space<vmem>>)
    "tpu.region"() ({
      %run_scoped3A = tpu.sem_alloc : memref<!tpu.dma_semaphore, #tpu.memory_space<semaphore_mem>>
      %dma_start3A_7 = arith.constant 0 : i32
      %dma_start3A_8 = tpu.memref_slice %arg4[%mul3A_2, %dma_start3A_7] : memref<1024x256xf32, #tpu.memory_space<hbm>> -> memref<32x256xf32, #tpu.memory_space<hbm>>
      %dma_start3A_9 = arith.constant 0 : i32
      %dma_start3A_10 = tpu.memref_slice %arg4[%mul3A_2, %dma_start3A_9] : memref<1024x256xf32, #tpu.memory_space<hbm>> -> memref<32x256xf32, #tpu.memory_space<hbm>>
      tpu.enqueue_dma source(%arg6 : memref<32x256xf32, #tpu.memory_space<vmem>>) target(%dma_start3A_10 : memref<32x256xf32, #tpu.memory_space<hbm>>) target_semaphore(%run_scoped3A : memref<!tpu.dma_semaphore, #tpu.memory_space<semaphore_mem>>)
      %dma_wait3A_11 = arith.constant 0 : i32
      %dma_wait3A_12 = tpu.memref_slice %arg4[%mul3A_2, %dma_wait3A_11] : memref<1024x256xf32, #tpu.memory_space<hbm>> -> memref<32x256xf32, #tpu.memory_space<hbm>>
      %dma_wait3A_13 = arith.constant 0 : i32
      %dma_wait3A_14 = tpu.memref_slice %arg4[%mul3A_2, %dma_wait3A_13] : memref<1024x256xf32, #tpu.memory_space<hbm>> -> memref<32x256xf32, #tpu.memory_space<hbm>>
      tpu.wait_dma2 semaphore(%run_scoped3A : memref<!tpu.dma_semaphore, #tpu.memory_space<semaphore_mem>>) src(%arg6 : memref<32x256xf32, #tpu.memory_space<vmem>>) dst(%dma_wait3A_14 : memref<32x256xf32, #tpu.memory_space<hbm>>)
      tpu.yield
    }) : () -> ()
    return
  }
}

module attributes {stable_mosaic.version = 14 : i64} {
  func.func @_fused_body(%arg0: i32, %arg1: memref<512x256xf32, #tpu.memory_space<vmem>>, %arg2: memref<1024x256xf32, #tpu.memory_space<vmem>>, %arg3: memref<1024x256xf32, #tpu.memory_space<vmem>>, %arg4: memref<1024x1xf32, #tpu.memory_space<vmem>>, %arg5: memref<1x1024xf32, #tpu.memory_space<vmem>>, %arg6: memref<8192x256xf32, #tpu.memory_space<hbm>>, %arg7: memref<1024x256xf32, #tpu.memory_space<vmem>>, %arg8: memref<1x1024xf32, #tpu.memory_space<vmem>>, %arg9: memref<1024x256xf32, #tpu.memory_space<vmem>>, %arg10: memref<1x1024xf32, #tpu.memory_space<vmem>>, %arg11: memref<16x512xf32, #tpu.memory_space<vmem>>, %arg12: memref<512x256xf32, #tpu.memory_space<vmem>>, %arg13: memref<!tpu.dma_semaphore, #tpu.memory_space<semaphore_mem>>) attributes {dimension_semantics = [#tpu.dimension_semantics<arbitrary>], iteration_bounds = array<i64: 17>, scalar_prefetch = 0 : i64, scratch_operands = 6 : i64, tpu.core_type = #tpu.core_type<tc>, window_params = [{transform_indices = @transform_0, window_bounds = array<i64: 512, 256>}, {pipeline_mode = #tpu.pipeline_mode<synchronous>, transform_indices = @transform_1, window_bounds = array<i64: 1024, 256>}, {pipeline_mode = #tpu.pipeline_mode<synchronous>, transform_indices = @transform_2, window_bounds = array<i64: 1024, 256>}, {pipeline_mode = #tpu.pipeline_mode<synchronous>, transform_indices = @transform_3, window_bounds = array<i64: 1024, 1>}, {pipeline_mode = #tpu.pipeline_mode<synchronous>, transform_indices = @transform_4, window_bounds = array<i64: 1, 1024>}, {}, {pipeline_mode = #tpu.pipeline_mode<synchronous>, transform_indices = @transform_6, window_bounds = array<i64: 1024, 256>}]} {
    %eq3A = arith.constant 0 : i32
    %eq3A_0 = arith.cmpi eq, %arg0, %eq3A : i32
    %convert_element_type3A = arith.extui %eq3A_0 : i1 to i32
    %cond3A = arith.constant 0 : i32
    %cond3A_1 = arith.cmpi ne, %convert_element_type3A, %cond3A : i32
    scf.if %cond3A_1 {
      %broadcast_in_dim3A = arith.constant 0.000000e+00 : f32
      %broadcast_in_dim3A_11 = vector.broadcast %broadcast_in_dim3A : f32 to vector<1x1024xf32>
      %swap3A = arith.constant 0 : index
      %swap3A_12 = arith.constant 0 : index
      %swap3A_13 = vector.load %arg8[%swap3A, %swap3A_12] : memref<1x1024xf32, #tpu.memory_space<vmem>>, vector<1x1024xf32>
      tpu.vector_store %arg8[%swap3A, %swap3A_12], %broadcast_in_dim3A_11 {strides = array<i32>} : memref<1x1024xf32, #tpu.memory_space<vmem>>, vector<1x1024xf32>,
      %broadcast_in_dim3A_14 = arith.constant 0.000000e+00 : f32
      %broadcast_in_dim3A_15 = vector.broadcast %broadcast_in_dim3A_14 : f32 to vector<1024x256xf32>
      %swap3A_16 = arith.constant 0 : index
      %swap3A_17 = arith.constant 0 : index
      %swap3A_18 = vector.load %arg9[%swap3A_16, %swap3A_17] : memref<1024x256xf32, #tpu.memory_space<vmem>>, vector<1024x256xf32>
      tpu.vector_store %arg9[%swap3A_16, %swap3A_17], %broadcast_in_dim3A_15 {strides = array<i32>} : memref<1024x256xf32, #tpu.memory_space<vmem>>, vector<1024x256xf32>,
      %get3A = arith.constant 0 : index
      %get3A_19 = arith.constant 0 : index
      %get3A_20 = vector.load %arg2[%get3A, %get3A_19] : memref<1024x256xf32, #tpu.memory_space<vmem>>, vector<1024x256xf32>
      %mul3A = arith.mulf %get3A_20, %get3A_20 : vector<1024x256xf32>
      %reduce_sum3A = arith.constant dense<0.000000e+00> : vector<1024xf32>
      %reduce_sum3A_21 = vector.multi_reduction <add>, %mul3A, %reduce_sum3A [1] : vector<1024x256xf32> to vector<1024xf32>
      %broadcast_in_dim3A_22 = vector.shape_cast %reduce_sum3A_21 : vector<1024xf32> to vector<1024x1xf32>
      %iota3A = tpu.iota {dimensions = array<i32: 0>} : vector<1024x1024xi32>
      %iota3A_23 = tpu.iota {dimensions = array<i32: 1>} : vector<1024x1024xi32>
      %eq3A_24 = arith.cmpi eq, %iota3A, %iota3A_23 : vector<1024x1024xi32>
      %broadcast_in_dim3A_25 = vector.shape_cast %broadcast_in_dim3A_22 : vector<1024x1xf32> to vector<1024x1xf32>
      %broadcast_in_dim3A_26 = vector.broadcast %broadcast_in_dim3A_25 : vector<1024x1xf32> to vector<1024x1024xf32>
      %jit3A = arith.constant 0xFF800000 : f32
      %broadcast_in_dim3A_27 = vector.broadcast %jit3A : f32 to vector<1024x1024xf32>
      %select_n3A = arith.select %eq3A_24, %broadcast_in_dim3A_26, %broadcast_in_dim3A_27 : vector<1024x1024xi1>, vector<1024x1024xf32>
      %reduce_max3A = arith.constant dense<0xFF800000> : vector<1024xf32>
      %reduce_max3A_28 = vector.multi_reduction <maximumf>, %select_n3A, %reduce_max3A [0] : vector<1024x1024xf32> to vector<1024xf32>
      %broadcast_in_dim3A_29 = vector.shape_cast %reduce_max3A_28 : vector<1024xf32> to vector<1x1024xf32>
      %swap3A_30 = arith.constant 0 : index
      %swap3A_31 = arith.constant 0 : index
      %swap3A_32 = vector.load %arg10[%swap3A_30, %swap3A_31] : memref<1x1024xf32, #tpu.memory_space<vmem>>, vector<1x1024xf32>
      tpu.vector_store %arg10[%swap3A_30, %swap3A_31], %broadcast_in_dim3A_29 {strides = array<i32>} : memref<1x1024xf32, #tpu.memory_space<vmem>>, vector<1x1024xf32>,
    } else {
    }
    %lt3A = arith.constant 16 : i32
    %lt3A_2 = arith.cmpi slt, %arg0, %lt3A : i32
    %convert_element_type3A_3 = arith.extui %lt3A_2 : i1 to i32
    %cond3A_4 = arith.constant 0 : i32
    %cond3A_5 = arith.cmpi ne, %convert_element_type3A_3, %cond3A_4 : i32
    scf.if %cond3A_5 {
      %get3A = arith.constant 0 : index
      %get3A_11 = arith.constant 0 : index
      %get3A_12 = vector.load %arg1[%get3A, %get3A_11] : memref<512x256xf32, #tpu.memory_space<vmem>>, vector<512x256xf32>
      %get3A_13 = arith.constant 0 : index
      %get3A_14 = arith.constant 0 : index
      %get3A_15 = vector.load %arg2[%get3A_13, %get3A_14] : memref<1024x256xf32, #tpu.memory_space<vmem>>, vector<1024x256xf32>
      %dot_general3A = arith.constant dense<0.000000e+00> : vector<512x1024xf32>
      %dot_general3A_16 = tpu.matmul %get3A_12, %get3A_15, %dot_general3A {dimension_numbers = #tpu.dot_dimension_numbers<[1], [1], [0], [0], [0, 0, 1, 0], [], []>, transpose_lhs_hint = false} : vector<512x256xf32>, vector<1024x256xf32>, vector<512x1024xf32> -> vector<512x1024xf32>
      %get3A_17 = arith.constant 0 : index
      %get3A_18 = arith.constant 0 : index
      %get3A_19 = vector.load %arg10[%get3A_17, %get3A_18] : memref<1x1024xf32, #tpu.memory_space<vmem>>, vector<1x1024xf32>
      %mul3A = arith.constant 2.000000e+00 : f32
      %mul3A_20 = vector.broadcast %mul3A : f32 to vector<512x1024xf32>
      %mul3A_21 = arith.mulf %mul3A_20, %dot_general3A_16 : vector<512x1024xf32>
      %sub3A = vector.broadcast %get3A_19 : vector<1x1024xf32> to vector<512x1024xf32>
      %sub3A_22 = arith.subf %sub3A, %mul3A_21 : vector<512x1024xf32>
      %reduce_min3A = arith.constant dense<0x7F800000> : vector<512xf32>
      %reduce_min3A_23 = vector.multi_reduction <minimumf>, %sub3A_22, %reduce_min3A [1] : vector<512x1024xf32> to vector<512xf32>
      %broadcast_in_dim3A = vector.shape_cast %reduce_min3A_23 : vector<512xf32> to vector<512x1xf32>
      %eq3A_24 = vector.broadcast %broadcast_in_dim3A : vector<512x1xf32> to vector<512x1024xf32>
      %eq3A_25 = arith.cmpf oeq, %sub3A_22, %eq3A_24 : vector<512x1024xf32>
      %jit3A = arith.constant 1.000000e+00 : f32
      %jit3A_26 = arith.constant 0.000000e+00 : f32
      %broadcast_in_dim3A_27 = vector.broadcast %jit3A : f32 to vector<512x1024xf32>
      %broadcast_in_dim3A_28 = vector.broadcast %jit3A_26 : f32 to vector<512x1024xf32>
      %select_n3A = arith.select %eq3A_25, %broadcast_in_dim3A_27, %broadcast_in_dim3A_28 : vector<512x1024xi1>, vector<512x1024xf32>
      %get3A_29 = arith.constant 0 : index
      %get3A_30 = arith.constant 0 : index
      %get3A_31 = vector.load %arg8[%get3A_29, %get3A_30] : memref<1x1024xf32, #tpu.memory_space<vmem>>, vector<1x1024xf32>
      %reduce_sum3A = arith.constant dense<0.000000e+00> : vector<1024xf32>
      %reduce_sum3A_32 = vector.multi_reduction <add>, %select_n3A, %reduce_sum3A [0] : vector<512x1024xf32> to vector<1024xf32>
      %broadcast_in_dim3A_33 = vector.shape_cast %reduce_sum3A_32 : vector<1024xf32> to vector<1x1024xf32>
      %add3A = arith.addf %get3A_31, %broadcast_in_dim3A_33 : vector<1x1024xf32>
      %swap3A = arith.constant 0 : index
      %swap3A_34 = arith.constant 0 : index
      %swap3A_35 = vector.load %arg8[%swap3A, %swap3A_34] : memref<1x1024xf32, #tpu.memory_space<vmem>>, vector<1x1024xf32>
      tpu.vector_store %arg8[%swap3A, %swap3A_34], %add3A {strides = array<i32>} : memref<1x1024xf32, #tpu.memory_space<vmem>>, vector<1x1024xf32>,
      %get3A_36 = arith.constant 0 : index
      %get3A_37 = arith.constant 0 : index
      %get3A_38 = vector.load %arg9[%get3A_36, %get3A_37] : memref<1024x256xf32, #tpu.memory_space<vmem>>, vector<1024x256xf32>
      %convert_element_type3A_39 = arith.truncf %select_n3A : vector<512x1024xf32> to vector<512x1024xbf16>
      %convert_element_type3A_40 = arith.truncf %get3A_12 : vector<512x256xf32> to vector<512x256xbf16>
      %dot_general3A_41 = arith.constant dense<0.000000e+00> : vector<1024x256xf32>
      %dot_general3A_42 = tpu.matmul %convert_element_type3A_39, %convert_element_type3A_40, %dot_general3A_41 {dimension_numbers = #tpu.dot_dimension_numbers<[0], [0], [1], [1], [0, 1, 1, 1], [], []>, transpose_lhs_hint = false} : vector<512x1024xbf16>, vector<512x256xbf16>, vector<1024x256xf32> -> vector<1024x256xf32>
      %add3A_43 = arith.addf %get3A_38, %dot_general3A_42 : vector<1024x256xf32>
      %swap3A_44 = arith.constant 0 : index
      %swap3A_45 = arith.constant 0 : index
      %swap3A_46 = vector.load %arg9[%swap3A_44, %swap3A_45] : memref<1024x256xf32, #tpu.memory_space<vmem>>, vector<1024x256xf32>
      tpu.vector_store %arg9[%swap3A_44, %swap3A_45], %add3A_43 {strides = array<i32>} : memref<1024x256xf32, #tpu.memory_space<vmem>>, vector<1024x256xf32>,
    } else {
    }
    %eq3A_6 = arith.constant 16 : i32
    %eq3A_7 = arith.cmpi eq, %arg0, %eq3A_6 : i32
    %convert_element_type3A_8 = arith.extui %eq3A_7 : i1 to i32
    %cond3A_9 = arith.constant 0 : i32
    %cond3A_10 = arith.cmpi ne, %convert_element_type3A_8, %cond3A_9 : i32
    scf.if %cond3A_10 {
      %get3A = arith.constant 0 : index
      %get3A_11 = arith.constant 0 : index
      %get3A_12 = vector.load %arg2[%get3A, %get3A_11] : memref<1024x256xf32, #tpu.memory_space<vmem>>, vector<1024x256xf32>
      %get3A_13 = arith.constant 0 : index
      %get3A_14 = arith.constant 0 : index
      %get3A_15 = vector.load %arg4[%get3A_13, %get3A_14] : memref<1024x1xf32, #tpu.memory_space<vmem>>, vector<1024x1xf32>
      %get3A_16 = arith.constant 0 : index
      %get3A_17 = arith.constant 0 : index
      %get3A_18 = vector.load %arg5[%get3A_16, %get3A_17] : memref<1x1024xf32, #tpu.memory_space<vmem>>, vector<1x1024xf32>
      %iota3A = tpu.iota {dimensions = array<i32: 0>} : vector<1024x1024xi32>
      %iota3A_19 = tpu.iota {dimensions = array<i32: 1>} : vector<1024x1024xi32>
      %get3A_20 = arith.constant 0 : index
      %get3A_21 = arith.constant 0 : index
      %get3A_22 = vector.load %arg8[%get3A_20, %get3A_21] : memref<1x1024xf32, #tpu.memory_space<vmem>>, vector<1x1024xf32>
      %iota3A_23 = tpu.iota {dimensions = array<i32: 0>} : vector<1024x1024xi32>
      %iota3A_24 = tpu.iota {dimensions = array<i32: 1>} : vector<1024x1024xi32>
      %eq3A_25 = arith.cmpi eq, %iota3A_23, %iota3A_24 : vector<1024x1024xi32>
      %broadcast_in_dim3A = vector.shape_cast %get3A_22 : vector<1x1024xf32> to vector<1x1024xf32>
      %broadcast_in_dim3A_26 = vector.broadcast %broadcast_in_dim3A : vector<1x1024xf32> to vector<1024x1024xf32>
      %jit3A = arith.constant 0xFF800000 : f32
      %broadcast_in_dim3A_27 = vector.broadcast %jit3A : f32 to vector<1024x1024xf32>
      %select_n3A = arith.select %eq3A_25, %broadcast_in_dim3A_26, %broadcast_in_dim3A_27 : vector<1024x1024xi1>, vector<1024x1024xf32>
      %reduce_max3A = arith.constant dense<0xFF800000> : vector<1024xf32>
      %reduce_max3A_28 = vector.multi_reduction <maximumf>, %select_n3A, %reduce_max3A [1] : vector<1024x1024xf32> to vector<1024xf32>
      %broadcast_in_dim3A_29 = vector.shape_cast %reduce_max3A_28 : vector<1024xf32> to vector<1024x1xf32>
      %eq3A_30 = arith.constant 0.000000e+00 : f32
      %eq3A_31 = vector.broadcast %eq3A_30 : f32 to vector<1024x1xf32>
      %eq3A_32 = arith.cmpf oeq, %get3A_15, %eq3A_31 : vector<1024x1xf32>
      %eq3A_33 = arith.constant 0.000000e+00 : f32
      %eq3A_34 = vector.broadcast %eq3A_33 : f32 to vector<1024x1xf32>
      %eq3A_35 = arith.cmpf oeq, %broadcast_in_dim3A_29, %eq3A_34 : vector<1024x1xf32>
      %and3A = arith.andi %eq3A_32, %eq3A_35 : vector<1024x1xi1>
      %jit3A_36 = arith.constant 1.000000e+00 : f32
      %broadcast_in_dim3A_37 = vector.broadcast %jit3A_36 : f32 to vector<1024x1xf32>
      %select_n3A_38 = arith.select %and3A, %broadcast_in_dim3A_37, %broadcast_in_dim3A_29 : vector<1024x1xi1>, vector<1024x1xf32>
      %eq3A_39 = arith.constant 0.000000e+00 : f32
      %eq3A_40 = vector.broadcast %eq3A_39 : f32 to vector<1x1024xf32>
      %eq3A_41 = arith.cmpf oeq, %get3A_18, %eq3A_40 : vector<1x1024xf32>
      %eq3A_42 = arith.constant 0.000000e+00 : f32
      %eq3A_43 = vector.broadcast %eq3A_42 : f32 to vector<1x1024xf32>
      %eq3A_44 = arith.cmpf oeq, %get3A_22, %eq3A_43 : vector<1x1024xf32>
      %and3A_45 = arith.andi %eq3A_41, %eq3A_44 : vector<1x1024xi1>
      %jit3A_46 = arith.constant 1.000000e+00 : f32
      %broadcast_in_dim3A_47 = vector.broadcast %jit3A_46 : f32 to vector<1x1024xf32>
      %select_n3A_48 = arith.select %and3A_45, %broadcast_in_dim3A_47, %get3A_22 : vector<1x1024xi1>, vector<1x1024xf32>
      %get3A_49 = arith.constant 0 : index
      %get3A_50 = arith.constant 0 : index
      %get3A_51 = vector.load %arg3[%get3A_49, %get3A_50] : memref<1024x256xf32, #tpu.memory_space<vmem>>, vector<1024x256xf32>
      %get3A_52 = arith.constant 0 : index
      %get3A_53 = arith.constant 0 : index
      %get3A_54 = vector.load %arg9[%get3A_52, %get3A_53] : memref<1024x256xf32, #tpu.memory_space<vmem>>, vector<1024x256xf32>
      %broadcast_in_dim3A_55 = vector.shape_cast %and3A : vector<1024x1xi1> to vector<1024x1xi1>
      %broadcast_in_dim3A_56 = vector.broadcast %broadcast_in_dim3A_55 : vector<1024x1xi1> to vector<1024x256xi1>
      %select_n3A_57 = arith.select %broadcast_in_dim3A_56, %get3A_51, %get3A_54 : vector<1024x256xi1>, vector<1024x256xf32>
      %add3A = arith.addf %get3A_15, %select_n3A_38 : vector<1024x1xf32>
      %add3A_58 = arith.addf %get3A_18, %select_n3A_48 : vector<1x1024xf32>
      %gt3A = arith.constant 0.000000e+00 : f32
      %gt3A_59 = vector.broadcast %gt3A : f32 to vector<1024x1xf32>
      %gt3A_60 = arith.cmpf ogt, %select_n3A_38, %gt3A_59 : vector<1024x1xf32>
      %gt3A_61 = arith.constant 0.000000e+00 : f32
      %gt3A_62 = vector.broadcast %gt3A_61 : f32 to vector<1024x1xf32>
      %gt3A_63 = arith.cmpf ogt, %add3A, %gt3A_62 : vector<1024x1xf32>
      %jit3A_64 = arith.constant 1.000000e+00 : f32
      %broadcast_in_dim3A_65 = vector.broadcast %jit3A_64 : f32 to vector<1024x1xf32>
      %select_n3A_66 = arith.select %gt3A_63, %add3A, %broadcast_in_dim3A_65 : vector<1024x1xi1>, vector<1024x1xf32>
      %mul3A = vector.broadcast %get3A_15 : vector<1024x1xf32> to vector<1024x256xf32>
      %mul3A_67 = arith.mulf %get3A_12, %mul3A : vector<1024x256xf32>
      %add3A_68 = arith.addf %mul3A_67, %select_n3A_57 : vector<1024x256xf32>
      %div3A = vector.broadcast %select_n3A_66 : vector<1024x1xf32> to vector<1024x256xf32>
      %div3A_69 = arith.divf %add3A_68, %div3A : vector<1024x256xf32>
      %broadcast_in_dim3A_70 = vector.shape_cast %gt3A_60 : vector<1024x1xi1> to vector<1024x1xi1>
      %broadcast_in_dim3A_71 = vector.broadcast %broadcast_in_dim3A_70 : vector<1024x1xi1> to vector<1024x256xi1>
      %select_n3A_72 = arith.select %broadcast_in_dim3A_71, %div3A_69, %get3A_12 : vector<1024x256xi1>, vector<1024x256xf32>
      %swap3A = arith.constant 0 : index
      %swap3A_73 = arith.constant 0 : index
      %swap3A_74 = vector.load %arg7[%swap3A, %swap3A_73] : memref<1024x256xf32, #tpu.memory_space<vmem>>, vector<1024x256xf32>
      tpu.vector_store %arg7[%swap3A, %swap3A_73], %select_n3A_72 {strides = array<i32>} : memref<1024x256xf32, #tpu.memory_space<vmem>>, vector<1024x256xf32>,
      %dot_general3A = arith.constant dense<0.000000e+00> : vector<1024x1024xf32>
      %dot_general3A_75 = tpu.matmul %select_n3A_72, %select_n3A_72, %dot_general3A {dimension_numbers = #tpu.dot_dimension_numbers<[1], [1], [0], [0], [0, 0, 1, 0], [], []>, transpose_lhs_hint = false} : vector<1024x256xf32>, vector<1024x256xf32>, vector<1024x1024xf32> -> vector<1024x1024xf32>
      %mul3A_76 = arith.mulf %select_n3A_72, %select_n3A_72 : vector<1024x256xf32>
      %reduce_sum3A = arith.constant dense<0.000000e+00> : vector<1024xf32>
      %reduce_sum3A_77 = vector.multi_reduction <add>, %mul3A_76, %reduce_sum3A [1] : vector<1024x256xf32> to vector<1024xf32>
      %broadcast_in_dim3A_78 = vector.shape_cast %reduce_sum3A_77 : vector<1024xf32> to vector<1024x1xf32>
      %iota3A_79 = tpu.iota {dimensions = array<i32: 0>} : vector<1024x1024xi32>
      %iota3A_80 = tpu.iota {dimensions = array<i32: 1>} : vector<1024x1024xi32>
      %eq3A_81 = arith.cmpi eq, %iota3A_79, %iota3A_80 : vector<1024x1024xi32>
      %broadcast_in_dim3A_82 = vector.shape_cast %broadcast_in_dim3A_78 : vector<1024x1xf32> to vector<1024x1xf32>
      %broadcast_in_dim3A_83 = vector.broadcast %broadcast_in_dim3A_82 : vector<1024x1xf32> to vector<1024x1024xf32>
      %jit3A_84 = arith.constant 0xFF800000 : f32
      %broadcast_in_dim3A_85 = vector.broadcast %jit3A_84 : f32 to vector<1024x1024xf32>
      %select_n3A_86 = arith.select %eq3A_81, %broadcast_in_dim3A_83, %broadcast_in_dim3A_85 : vector<1024x1024xi1>, vector<1024x1024xf32>
      %reduce_max3A_87 = arith.constant dense<0xFF800000> : vector<1024xf32>
      %reduce_max3A_88 = vector.multi_reduction <maximumf>, %select_n3A_86, %reduce_max3A_87 [0] : vector<1024x1024xf32> to vector<1024xf32>
      %broadcast_in_dim3A_89 = vector.shape_cast %reduce_max3A_88 : vector<1024xf32> to vector<1x1024xf32>
      %add3A_90 = vector.broadcast %broadcast_in_dim3A_78 : vector<1024x1xf32> to vector<1024x1024xf32>
      %add3A_91 = vector.broadcast %broadcast_in_dim3A_89 : vector<1x1024xf32> to vector<1024x1024xf32>
      %add3A_92 = arith.addf %add3A_90, %add3A_91 : vector<1024x1024xf32>
      %mul3A_93 = arith.constant 2.000000e+00 : f32
      %mul3A_94 = vector.broadcast %mul3A_93 : f32 to vector<1024x1024xf32>
      %mul3A_95 = arith.mulf %mul3A_94, %dot_general3A_75 : vector<1024x1024xf32>
      %sub3A = arith.subf %add3A_92, %mul3A_95 : vector<1024x1024xf32>
      %lt3A_96 = arith.constant 2.500000e-01 : f32
      %lt3A_97 = vector.broadcast %lt3A_96 : f32 to vector<1024x1024xf32>
      %lt3A_98 = arith.cmpf olt, %sub3A, %lt3A_97 : vector<1024x1024xf32>
      %gt3A_99 = arith.cmpi sgt, %iota3A_19, %iota3A : vector<1024x1024xi32>
      %and3A_100 = arith.andi %lt3A_98, %gt3A_99 : vector<1024x1024xi1>
      %le3A = vector.broadcast %add3A : vector<1024x1xf32> to vector<1024x1024xf32>
      %le3A_101 = vector.broadcast %add3A_58 : vector<1x1024xf32> to vector<1024x1024xf32>
      %le3A_102 = arith.cmpf ole, %le3A, %le3A_101 : vector<1024x1024xf32>
      %and3A_103 = arith.andi %and3A_100, %le3A_102 : vector<1024x1024xi1>
      %jit3A_104 = arith.constant 1.000000e+00 : f32
      %jit3A_105 = arith.constant 0.000000e+00 : f32
      %broadcast_in_dim3A_106 = vector.broadcast %jit3A_104 : f32 to vector<1024x1024xf32>
      %broadcast_in_dim3A_107 = vector.broadcast %jit3A_105 : f32 to vector<1024x1024xf32>
      %select_n3A_108 = arith.select %and3A_103, %broadcast_in_dim3A_106, %broadcast_in_dim3A_107 : vector<1024x1024xi1>, vector<1024x1024xf32>
      %lt3A_109 = arith.cmpi slt, %iota3A_19, %iota3A : vector<1024x1024xi32>
      %and3A_110 = arith.andi %lt3A_98, %lt3A_109 : vector<1024x1024xi1>
      %lt3A_111 = vector.broadcast %add3A : vector<1024x1xf32> to vector<1024x1024xf32>
      %lt3A_112 = vector.broadcast %add3A_58 : vector<1x1024xf32> to vector<1024x1024xf32>
      %lt3A_113 = arith.cmpf olt, %lt3A_111, %lt3A_112 : vector<1024x1024xf32>
      %and3A_114 = arith.andi %and3A_110, %lt3A_113 : vector<1024x1024xi1>
      %jit3A_115 = arith.constant 1.000000e+00 : f32
      %jit3A_116 = arith.constant 0.000000e+00 : f32
      %broadcast_in_dim3A_117 = vector.broadcast %jit3A_115 : f32 to vector<1024x1024xf32>
      %broadcast_in_dim3A_118 = vector.broadcast %jit3A_116 : f32 to vector<1024x1024xf32>
      %select_n3A_119 = arith.select %and3A_114, %broadcast_in_dim3A_117, %broadcast_in_dim3A_118 : vector<1024x1024xi1>, vector<1024x1024xf32>
      %max3A = arith.maximumf %select_n3A_108, %select_n3A_119 : vector<1024x1024xf32>
      %reduce_max3A_120 = arith.constant dense<0xFF800000> : vector<1024xf32>
      %reduce_max3A_121 = vector.multi_reduction <maximumf>, %max3A, %reduce_max3A_120 [1] : vector<1024x1024xf32> to vector<1024xf32>
      %broadcast_in_dim3A_122 = vector.shape_cast %reduce_max3A_121 : vector<1024xf32> to vector<1024x1xf32>
      %reduce_sum3A_123 = vector.shape_cast %broadcast_in_dim3A_122 : vector<1024x1xf32> to vector<1x1024x1xf32>
      %reduce_sum3A_124 = arith.constant dense<0.000000e+00> : vector<1xf32>
      %reduce_sum3A_125 = vector.multi_reduction <add>, %reduce_sum3A_123, %reduce_sum3A_124 [1, 2] : vector<1x1024x1xf32> to vector<1xf32>
      %reduce_sum3A_126 = vector.shape_cast %reduce_sum3A_125 : vector<1xf32> to vector<1x1x1xf32>
      %reduce_sum3A_127 = vector.extract %reduce_sum3A_126[0, 0, 0] : f32 from vector<1x1x1xf32>
      %gt3A_128 = arith.constant 5.000000e-01 : f32
      %gt3A_129 = arith.cmpf ogt, %reduce_sum3A_127, %gt3A_128 : f32
      %convert_element_type3A_130 = arith.extui %gt3A_129 : i1 to i32
      %cond3A_131 = arith.constant 0 : i32
      %cond3A_132 = arith.cmpi ne, %convert_element_type3A_130, %cond3A_131 : i32
      scf.if %cond3A_132 {
        %scan3A = arith.constant 0 : i32
        %scan3A_133 = arith.constant 16 : i32
        %scan3A_134 = arith.addi %scan3A, %scan3A_133 : i32
        %scan3A_135 = arith.constant 1 : i32
        scf.for %scan3A_197 = %scan3A to %scan3A_134 step %scan3A_135  : i32 {
          %mul3A_198 = arith.constant 512 : i32
          %mul3A_199 = arith.muli %scan3A_197, %mul3A_198 : i32
          %dma_start3A = arith.constant 0 : i32
          %dma_start3A_200 = tpu.memref_slice %arg6[%mul3A_199, %dma_start3A] : memref<8192x256xf32, #tpu.memory_space<hbm>> -> memref<512x256xf32, #tpu.memory_space<hbm>>
          tpu.enqueue_dma source(%dma_start3A_200 : memref<512x256xf32, #tpu.memory_space<hbm>>) target(%arg12 : memref<512x256xf32, #tpu.memory_space<vmem>>) target_semaphore(%arg13 : memref<!tpu.dma_semaphore, #tpu.memory_space<semaphore_mem>>)
          %dma_wait3A = arith.constant 0 : i32
          %dma_wait3A_201 = tpu.memref_slice %arg6[%mul3A_199, %dma_wait3A] : memref<8192x256xf32, #tpu.memory_space<hbm>> -> memref<512x256xf32, #tpu.memory_space<hbm>>
          tpu.wait_dma2 semaphore(%arg13 : memref<!tpu.dma_semaphore, #tpu.memory_space<semaphore_mem>>) src(%dma_wait3A_201 : memref<512x256xf32, #tpu.memory_space<hbm>>) dst(%arg12 : memref<512x256xf32, #tpu.memory_space<vmem>>)
          %get3A_202 = arith.constant 0 : index
          %get3A_203 = arith.constant 0 : index
          %get3A_204 = vector.load %arg12[%get3A_202, %get3A_203] : memref<512x256xf32, #tpu.memory_space<vmem>>, vector<512x256xf32>
          %mul3A_205 = arith.mulf %get3A_204, %get3A_204 : vector<512x256xf32>
          %reduce_sum3A_206 = arith.constant dense<0.000000e+00> : vector<512xf32>
          %reduce_sum3A_207 = vector.multi_reduction <add>, %mul3A_205, %reduce_sum3A_206 [1] : vector<512x256xf32> to vector<512xf32>
          %broadcast_in_dim3A_208 = vector.shape_cast %reduce_sum3A_207 : vector<512xf32> to vector<512x1xf32>
          %iota3A_209 = tpu.iota {dimensions = array<i32: 0>} : vector<512x512xi32>
          %iota3A_210 = tpu.iota {dimensions = array<i32: 1>} : vector<512x512xi32>
          %eq3A_211 = arith.cmpi eq, %iota3A_209, %iota3A_210 : vector<512x512xi32>
          %broadcast_in_dim3A_212 = vector.shape_cast %broadcast_in_dim3A_208 : vector<512x1xf32> to vector<512x1xf32>
          %broadcast_in_dim3A_213 = vector.broadcast %broadcast_in_dim3A_212 : vector<512x1xf32> to vector<512x512xf32>
          %jit3A_214 = arith.constant 0xFF800000 : f32
          %broadcast_in_dim3A_215 = vector.broadcast %jit3A_214 : f32 to vector<512x512xf32>
          %select_n3A_216 = arith.select %eq3A_211, %broadcast_in_dim3A_213, %broadcast_in_dim3A_215 : vector<512x512xi1>, vector<512x512xf32>
          %reduce_max3A_217 = arith.constant dense<0xFF800000> : vector<512xf32>
          %reduce_max3A_218 = vector.multi_reduction <maximumf>, %select_n3A_216, %reduce_max3A_217 [0] : vector<512x512xf32> to vector<512xf32>
          %broadcast_in_dim3A_219 = vector.shape_cast %reduce_max3A_218 : vector<512xf32> to vector<1x512xf32>
          %dot_general3A_220 = arith.constant dense<0.000000e+00> : vector<1024x512xf32>
          %dot_general3A_221 = tpu.matmul %select_n3A_72, %get3A_204, %dot_general3A_220 {dimension_numbers = #tpu.dot_dimension_numbers<[1], [1], [0], [0], [0, 0, 1, 0], [], []>, transpose_lhs_hint = false} : vector<1024x256xf32>, vector<512x256xf32>, vector<1024x512xf32> -> vector<1024x512xf32>
          %add3A_222 = vector.broadcast %broadcast_in_dim3A_219 : vector<1x512xf32> to vector<1024x512xf32>
          %add3A_223 = vector.broadcast %broadcast_in_dim3A_78 : vector<1024x1xf32> to vector<1024x512xf32>
          %add3A_224 = arith.addf %add3A_222, %add3A_223 : vector<1024x512xf32>
          %mul3A_225 = arith.constant 2.000000e+00 : f32
          %mul3A_226 = vector.broadcast %mul3A_225 : f32 to vector<1024x512xf32>
          %mul3A_227 = arith.mulf %mul3A_226, %dot_general3A_221 : vector<1024x512xf32>
          %sub3A_228 = arith.subf %add3A_224, %mul3A_227 : vector<1024x512xf32>
          %reduce_max3A_229 = arith.constant dense<0xFF800000> : vector<512xf32>
          %reduce_max3A_230 = vector.multi_reduction <maximumf>, %sub3A_228, %reduce_max3A_229 [0] : vector<1024x512xf32> to vector<512xf32>
          %broadcast_in_dim3A_231 = vector.shape_cast %reduce_max3A_230 : vector<512xf32> to vector<1x512xf32>
          %swap3A_232 = arith.index_cast %scan3A_197 : i32 to index
          %swap3A_233 = arith.constant 0 : index
          %swap3A_234 = vector.load %arg11[%swap3A_232, %swap3A_233] : memref<16x512xf32, #tpu.memory_space<vmem>>, vector<1x512xf32>
          tpu.vector_store %arg11[%swap3A_232, %swap3A_233], %broadcast_in_dim3A_231 {strides = array<i32>} : memref<16x512xf32, #tpu.memory_space<vmem>>, vector<1x512xf32>,
        }
        %scan3A_136 = arith.constant 16 : i32
        %get3A_137 = arith.constant 0 : index
        %get3A_138 = arith.constant 0 : index
        %get3A_139 = vector.load %arg11[%get3A_137, %get3A_138] : memref<16x512xf32, #tpu.memory_space<vmem>>, vector<16x512xf32>
        %iota3A_140 = tpu.iota {dimensions = array<i32: 0>} : vector<16x512xi32>
        %mul3A_141 = arith.constant 512 : i32
        %mul3A_142 = vector.broadcast %mul3A_141 : i32 to vector<16x512xi32>
        %mul3A_143 = arith.muli %iota3A_140, %mul3A_142 : vector<16x512xi32>
        %iota3A_144 = tpu.iota {dimensions = array<i32: 1>} : vector<16x512xi32>
        %add3A_145 = arith.addi %mul3A_143, %iota3A_144 : vector<16x512xi32>
        %convert_element_type3A_146 = arith.sitofp %add3A_145 : vector<16x512xi32> to vector<16x512xf32>
        %convert_element_type3A_147 = arith.fptosi %reduce_sum3A_127 : f32 to i32
        %broadcast_in_dim3A_148 = arith.constant 0.000000e+00 : f32
        %broadcast_in_dim3A_149 = vector.broadcast %broadcast_in_dim3A_148 : f32 to vector<1024x1xf32>
        %while3A = arith.constant 0 : i32
        %while3A_150 = arith.subi %convert_element_type3A_147, %while3A : i32
        %while3A_151 = arith.addi %while3A, %while3A_150 : i32
        %while3A_152 = arith.constant 1 : i32
        %while3A_153 = arith.divsi %while3A_150, %while3A_152 : i32
        %while3A_154 = arith.muli %while3A_153, %while3A_152 : i32
        %while3A_155 = arith.addi %while3A, %while3A_154 : i32
        %while3A_156 = arith.constant 1 : i32
        %while3A_157:2 = scf.for %while3A_197 = %while3A to %while3A_155 step %while3A_156 iter_args(%while3A_198 = %get3A_139, %while3A_199 = %broadcast_in_dim3A_149) -> (vector<16x512xf32>, vector<1024x1xf32>)  : i32 {
          %reduce_max3A_200 = vector.shape_cast %while3A_198 : vector<16x512xf32> to vector<1x16x512xf32>
          %reduce_max3A_201 = arith.constant dense<0xFF800000> : vector<1xf32>
          %reduce_max3A_202 = vector.multi_reduction <maximumf>, %reduce_max3A_200, %reduce_max3A_201 [1, 2] : vector<1x16x512xf32> to vector<1xf32>
          %reduce_max3A_203 = vector.shape_cast %reduce_max3A_202 : vector<1xf32> to vector<1x1x1xf32>
          %reduce_max3A_204 = vector.extract %reduce_max3A_203[0, 0, 0] : f32 from vector<1x1x1xf32>
          %eq3A_205 = vector.broadcast %reduce_max3A_204 : f32 to vector<16x512xf32>
          %eq3A_206 = arith.cmpf oeq, %while3A_198, %eq3A_205 : vector<16x512xf32>
          %jit3A_207 = arith.constant 8.192000e+03 : f32
          %broadcast_in_dim3A_208 = vector.broadcast %jit3A_207 : f32 to vector<16x512xf32>
          %select_n3A_209 = arith.select %eq3A_206, %convert_element_type3A_146, %broadcast_in_dim3A_208 : vector<16x512xi1>, vector<16x512xf32>
          %reduce_min3A = vector.shape_cast %select_n3A_209 : vector<16x512xf32> to vector<1x16x512xf32>
          %reduce_min3A_210 = arith.constant dense<0x7F800000> : vector<1xf32>
          %reduce_min3A_211 = vector.multi_reduction <minimumf>, %reduce_min3A, %reduce_min3A_210 [1, 2] : vector<1x16x512xf32> to vector<1xf32>
          %reduce_min3A_212 = vector.shape_cast %reduce_min3A_211 : vector<1xf32> to vector<1x1x1xf32>
          %reduce_min3A_213 = vector.extract %reduce_min3A_212[0, 0, 0] : f32 from vector<1x1x1xf32>
          %iota3A_214 = tpu.iota {dimensions = array<i32: 0>} : vector<1024x1xi32>
          %eq3A_215 = vector.broadcast %while3A_197 : i32 to vector<1024x1xi32>
          %eq3A_216 = arith.cmpi eq, %iota3A_214, %eq3A_215 : vector<1024x1xi32>
          %broadcast_in_dim3A_217 = vector.broadcast %reduce_min3A_213 : f32 to vector<1024x1xf32>
          %select_n3A_218 = arith.select %eq3A_216, %broadcast_in_dim3A_217, %while3A_199 : vector<1024x1xi1>, vector<1024x1xf32>
          %eq3A_219 = vector.broadcast %reduce_min3A_213 : f32 to vector<16x512xf32>
          %eq3A_220 = arith.cmpf oeq, %convert_element_type3A_146, %eq3A_219 : vector<16x512xf32>
          %jit3A_221 = arith.constant 0xFF800000 : f32
          %broadcast_in_dim3A_222 = vector.broadcast %jit3A_221 : f32 to vector<16x512xf32>
          %select_n3A_223 = arith.select %eq3A_220, %broadcast_in_dim3A_222, %while3A_198 : vector<16x512xi1>, vector<16x512xf32>
          scf.yield %select_n3A_223, %select_n3A_218 : vector<16x512xf32>, vector<1024x1xf32>
        }
        %while3A_158 = arith.constant 1 : i32
        %while3A_159:2 = scf.for %while3A_197 = %while3A_155 to %while3A_151 step %while3A_158 iter_args(%while3A_198 = %while3A_157#0, %while3A_199 = %while3A_157#1) -> (vector<16x512xf32>, vector<1024x1xf32>)  : i32 {
          %reduce_max3A_200 = vector.shape_cast %while3A_198 : vector<16x512xf32> to vector<1x16x512xf32>
          %reduce_max3A_201 = arith.constant dense<0xFF800000> : vector<1xf32>
          %reduce_max3A_202 = vector.multi_reduction <maximumf>, %reduce_max3A_200, %reduce_max3A_201 [1, 2] : vector<1x16x512xf32> to vector<1xf32>
          %reduce_max3A_203 = vector.shape_cast %reduce_max3A_202 : vector<1xf32> to vector<1x1x1xf32>
          %reduce_max3A_204 = vector.extract %reduce_max3A_203[0, 0, 0] : f32 from vector<1x1x1xf32>
          %eq3A_205 = vector.broadcast %reduce_max3A_204 : f32 to vector<16x512xf32>
          %eq3A_206 = arith.cmpf oeq, %while3A_198, %eq3A_205 : vector<16x512xf32>
          %jit3A_207 = arith.constant 8.192000e+03 : f32
          %broadcast_in_dim3A_208 = vector.broadcast %jit3A_207 : f32 to vector<16x512xf32>
          %select_n3A_209 = arith.select %eq3A_206, %convert_element_type3A_146, %broadcast_in_dim3A_208 : vector<16x512xi1>, vector<16x512xf32>
          %reduce_min3A = vector.shape_cast %select_n3A_209 : vector<16x512xf32> to vector<1x16x512xf32>
          %reduce_min3A_210 = arith.constant dense<0x7F800000> : vector<1xf32>
          %reduce_min3A_211 = vector.multi_reduction <minimumf>, %reduce_min3A, %reduce_min3A_210 [1, 2] : vector<1x16x512xf32> to vector<1xf32>
          %reduce_min3A_212 = vector.shape_cast %reduce_min3A_211 : vector<1xf32> to vector<1x1x1xf32>
          %reduce_min3A_213 = vector.extract %reduce_min3A_212[0, 0, 0] : f32 from vector<1x1x1xf32>
          %iota3A_214 = tpu.iota {dimensions = array<i32: 0>} : vector<1024x1xi32>
          %eq3A_215 = vector.broadcast %while3A_197 : i32 to vector<1024x1xi32>
          %eq3A_216 = arith.cmpi eq, %iota3A_214, %eq3A_215 : vector<1024x1xi32>
          %broadcast_in_dim3A_217 = vector.broadcast %reduce_min3A_213 : f32 to vector<1024x1xf32>
          %select_n3A_218 = arith.select %eq3A_216, %broadcast_in_dim3A_217, %while3A_199 : vector<1024x1xi1>, vector<1024x1xf32>
          %eq3A_219 = vector.broadcast %reduce_min3A_213 : f32 to vector<16x512xf32>
          %eq3A_220 = arith.cmpf oeq, %convert_element_type3A_146, %eq3A_219 : vector<16x512xf32>
          %jit3A_221 = arith.constant 0xFF800000 : f32
          %broadcast_in_dim3A_222 = vector.broadcast %jit3A_221 : f32 to vector<16x512xf32>
          %select_n3A_223 = arith.select %eq3A_220, %broadcast_in_dim3A_222, %while3A_198 : vector<16x512xi1>, vector<16x512xf32>
          scf.yield %select_n3A_223, %select_n3A_218 : vector<16x512xf32>, vector<1024x1xf32>
        }
        %ge3A = arith.cmpi sge, %iota3A, %iota3A_19 : vector<1024x1024xi32>
        %convert_element_type3A_160 = arith.extui %ge3A : vector<1024x1024xi1> to vector<1024x1024xi32>
        %convert_element_type3A_161 = arith.sitofp %convert_element_type3A_160 : vector<1024x1024xi32> to vector<1024x1024xf32>
        %dot_general3A_162 = arith.constant dense<0.000000e+00> : vector<1024x1xf32>
        %dot_general3A_163 = tpu.matmul %convert_element_type3A_161, %broadcast_in_dim3A_122, %dot_general3A_162 {dimension_numbers = #tpu.dot_dimension_numbers<[1], [0], [0], [1], [0, 0, 1, 1], [], []>, transpose_lhs_hint = false} : vector<1024x1024xf32>, vector<1024x1xf32>, vector<1024x1xf32> -> vector<1024x1xf32>
        %sub3A_164 = arith.constant 1.000000e+00 : f32
        %sub3A_165 = vector.broadcast %sub3A_164 : f32 to vector<1024x1xf32>
        %sub3A_166 = arith.subf %dot_general3A_163, %sub3A_165 : vector<1024x1xf32>
        %max3A_167 = arith.constant 0.000000e+00 : f32
        %max3A_168 = vector.broadcast %max3A_167 : f32 to vector<1024x1xf32>
        %max3A_169 = arith.maximumf %sub3A_166, %max3A_168 : vector<1024x1xf32>
        %convert_element_type3A_170 = arith.sitofp %iota3A_19 : vector<1024x1024xi32> to vector<1024x1024xf32>
        %eq3A_171 = vector.broadcast %max3A_169 : vector<1024x1xf32> to vector<1024x1024xf32>
        %eq3A_172 = arith.cmpf oeq, %eq3A_171, %convert_element_type3A_170 : vector<1024x1024xf32>
        %convert_element_type3A_173 = arith.extui %eq3A_172 : vector<1024x1024xi1> to vector<1024x1024xi32>
        %convert_element_type3A_174 = arith.sitofp %convert_element_type3A_173 : vector<1024x1024xi32> to vector<1024x1024xf32>
        %dot_general3A_175 = arith.constant dense<0.000000e+00> : vector<1024x1xf32>
        %dot_general3A_176 = tpu.matmul %convert_element_type3A_174, %while3A_159#1, %dot_general3A_175 {dimension_numbers = #tpu.dot_dimension_numbers<[1], [0], [0], [1], [0, 0, 1, 1], [], []>, transpose_lhs_hint = false} : vector<1024x1024xf32>, vector<1024x1xf32>, vector<1024x1xf32> -> vector<1024x1xf32>
        %broadcast_in_dim3A_177 = arith.constant 0.000000e+00 : f32
        %broadcast_in_dim3A_178 = vector.broadcast %broadcast_in_dim3A_177 : f32 to vector<1024x256xf32>
        %scan3A_179 = arith.constant 0 : i32
        %scan3A_180 = arith.constant 16 : i32
        %scan3A_181 = arith.addi %scan3A_179, %scan3A_180 : i32
        %scan3A_182 = arith.constant 1 : i32
        %scan3A_183 = scf.for %scan3A_197 = %scan3A_179 to %scan3A_181 step %scan3A_182 iter_args(%scan3A_198 = %broadcast_in_dim3A_178) -> (vector<1024x256xf32>)  : i32 {
          %mul3A_199 = arith.constant 512 : i32
          %mul3A_200 = arith.muli %scan3A_197, %mul3A_199 : i32
          %dma_start3A = arith.constant 0 : i32
          %dma_start3A_201 = tpu.memref_slice %arg6[%mul3A_200, %dma_start3A] : memref<8192x256xf32, #tpu.memory_space<hbm>> -> memref<512x256xf32, #tpu.memory_space<hbm>>
          tpu.enqueue_dma source(%dma_start3A_201 : memref<512x256xf32, #tpu.memory_space<hbm>>) target(%arg12 : memref<512x256xf32, #tpu.memory_space<vmem>>) target_semaphore(%arg13 : memref<!tpu.dma_semaphore, #tpu.memory_space<semaphore_mem>>)
          %dma_wait3A = arith.constant 0 : i32
          %dma_wait3A_202 = tpu.memref_slice %arg6[%mul3A_200, %dma_wait3A] : memref<8192x256xf32, #tpu.memory_space<hbm>> -> memref<512x256xf32, #tpu.memory_space<hbm>>
          tpu.wait_dma2 semaphore(%arg13 : memref<!tpu.dma_semaphore, #tpu.memory_space<semaphore_mem>>) src(%dma_wait3A_202 : memref<512x256xf32, #tpu.memory_space<hbm>>) dst(%arg12 : memref<512x256xf32, #tpu.memory_space<vmem>>)
          %get3A_203 = arith.constant 0 : index
          %get3A_204 = arith.constant 0 : index
          %get3A_205 = vector.load %arg12[%get3A_203, %get3A_204] : memref<512x256xf32, #tpu.memory_space<vmem>>, vector<512x256xf32>
          %mul3A_206 = arith.constant 512 : i32
          %mul3A_207 = arith.muli %scan3A_197, %mul3A_206 : i32
          %convert_element_type3A_208 = arith.sitofp %mul3A_207 : i32 to f32
          %iota3A_209 = tpu.iota {dimensions = array<i32: 1>} : vector<1024x512xi32>
          %convert_element_type3A_210 = arith.sitofp %iota3A_209 : vector<1024x512xi32> to vector<1024x512xf32>
          %add3A_211 = vector.broadcast %convert_element_type3A_208 : f32 to vector<1024x512xf32>
          %add3A_212 = arith.addf %convert_element_type3A_210, %add3A_211 : vector<1024x512xf32>
          %eq3A_213 = vector.broadcast %dot_general3A_176 : vector<1024x1xf32> to vector<1024x512xf32>
          %eq3A_214 = arith.cmpf oeq, %eq3A_213, %add3A_212 : vector<1024x512xf32>
          %convert_element_type3A_215 = arith.extui %eq3A_214 : vector<1024x512xi1> to vector<1024x512xi32>
          %convert_element_type3A_216 = arith.sitofp %convert_element_type3A_215 : vector<1024x512xi32> to vector<1024x512xf32>
          %dot_general3A_217 = arith.constant dense<0.000000e+00> : vector<1024x256xf32>
          %dot_general3A_218 = tpu.matmul %convert_element_type3A_216, %get3A_205, %dot_general3A_217 {dimension_numbers = #tpu.dot_dimension_numbers<[1], [0], [0], [1], [0, 0, 1, 1], [], []>, transpose_lhs_hint = false} : vector<1024x512xf32>, vector<512x256xf32>, vector<1024x256xf32> -> vector<1024x256xf32>
          %add3A_219 = arith.addf %scan3A_198, %dot_general3A_218 : vector<1024x256xf32>
          scf.yield %add3A_219 : vector<1024x256xf32>
        }
        %scan3A_184 = arith.constant 16 : i32
        %gt3A_185 = arith.constant 5.000000e-01 : f32
        %gt3A_186 = vector.broadcast %gt3A_185 : f32 to vector<1024x1xf32>
        %gt3A_187 = arith.cmpf ogt, %broadcast_in_dim3A_122, %gt3A_186 : vector<1024x1xf32>
        %get3A_188 = arith.constant 0 : index
        %get3A_189 = arith.constant 0 : index
        %get3A_190 = vector.load %arg7[%get3A_188, %get3A_189] : memref<1024x256xf32, #tpu.memory_space<vmem>>, vector<1024x256xf32>
        %broadcast_in_dim3A_191 = vector.shape_cast %gt3A_187 : vector<1024x1xi1> to vector<1024x1xi1>
        %broadcast_in_dim3A_192 = vector.broadcast %broadcast_in_dim3A_191 : vector<1024x1xi1> to vector<1024x256xi1>
        %select_n3A_193 = arith.select %broadcast_in_dim3A_192, %scan3A_183, %get3A_190 : vector<1024x256xi1>, vector<1024x256xf32>
        %swap3A_194 = arith.constant 0 : index
        %swap3A_195 = arith.constant 0 : index
        %swap3A_196 = vector.load %arg7[%swap3A_194, %swap3A_195] : memref<1024x256xf32, #tpu.memory_space<vmem>>, vector<1024x256xf32>
        tpu.vector_store %arg7[%swap3A_194, %swap3A_195], %select_n3A_193 {strides = array<i32>} : memref<1024x256xf32, #tpu.memory_space<vmem>>, vector<1024x256xf32>,
      } else {
      }
    } else {
    }
    return
  }
  func.func @transform_0(%arg0: i32) -> (i32, i32) {
    %min3A = arith.constant 15 : i32
    %min3A_0 = arith.minsi %arg0, %min3A : i32
    %c0_i32 = arith.constant 0 : i32
    %c0_i32_1 = arith.constant 0 : i32
    return %min3A_0, %c0_i32 : i32, i32
  }
  func.func @transform_1(%arg0: i32) -> (i32, i32) {
    %c0_i32 = arith.constant 0 : i32
    %c0_i32_0 = arith.constant 0 : i32
    %c0_i32_1 = arith.constant 0 : i32
    return %c0_i32, %c0_i32_0 : i32, i32
  }
  func.func @transform_2(%arg0: i32) -> (i32, i32) {
    %c0_i32 = arith.constant 0 : i32
    %c0_i32_0 = arith.constant 0 : i32
    %c0_i32_1 = arith.constant 0 : i32
    return %c0_i32, %c0_i32_0 : i32, i32
  }
  func.func @transform_3(%arg0: i32) -> (i32, i32) {
    %c0_i32 = arith.constant 0 : i32
    %c0_i32_0 = arith.constant 0 : i32
    %c0_i32_1 = arith.constant 0 : i32
    return %c0_i32, %c0_i32_0 : i32, i32
  }
  func.func @transform_4(%arg0: i32) -> (i32, i32) {
    %c0_i32 = arith.constant 0 : i32
    %c0_i32_0 = arith.constant 0 : i32
    %c0_i32_1 = arith.constant 0 : i32
    return %c0_i32, %c0_i32_0 : i32, i32
  }
  func.func @transform_6(%arg0: i32) -> (i32, i32) {
    %c0_i32 = arith.constant 0 : i32
    %c0_i32_0 = arith.constant 0 : i32
    %c0_i32_1 = arith.constant 0 : i32
    return %c0_i32, %c0_i32_0 : i32, i32
  }
}

</mosaic_0001>

<sc_bundles>
// kernel: kernel.4.cloned.1.call-start
scs
__scs_entry_jumppad:
0x0: {  	(pc) =	sbr.rel $0x88, $3  }
0x1: {  	(tag) =	ssettag $0x0;
	lr =	simm.s32 $0x1  }
0x2: {  	[smem:$0x3F9E] =	sst lr;
	_ =	strace $0xD0000000  }
0x3: {  	_ = 	snop  }
0x4: {  	_ = 	snop  }
0x5: {  	_ = 	snop  }
0x6: {  	_ = 	snop  }
0x7: {  	_ = 	snop  }
__scs_overlays_trampoline_lowered:
0x8: {  	[smem:$0x3FAD] =	sst s0  }
0x9: {  	[smem:$0x3FAE] =	sst s1  }
0xa: {  	[smem:$0x3FAF] =	sst s2  }
0xb: {  	[smem:$0x3FB0] =	sst s3  }
0xc: {  	[smem:$0x3FB1] =	sst s4  }
0xd: {  	[smem:$0x3FB2] =	sst s5  }
0xe: {  	[smem:$0x3FB3] =	sst s6  }
0xf: {  	[smem:$0x3FB4] =	sst s7  }
0x10: {  	[smem:$0x3FB5] =	sst s8  }
0x11: {  	[smem:$0x3FB6] =	sst s9;
	s0 =	simm.s32 @!p0 $0x0  }
0x12: {  	s1 =	sld [smem:$0x3F9C];
	s0 =	simm.s32 @p0 $0x1  }
0x13: {  	[smem:$0x3FB7] =	sst s0;
	s0 =	simm.s32 @!p1 $0x0  }
0x14: {  	s2 =	sld [smem:$0x3F9B];
	s0 =	simm.s32 @p1 $0x1  }
0x15: {  	[smem:$0x3FB8] =	sst s0;
	s0 =	simm.s32 @!p2 $0x0  }
0x16: {  	s3 =	sld [smem:$0x3FDB];
	s0 =	simm.s32 @p2 $0x1  }
0x17: {  	s4 =	simm.s32 $0x1BF5;
	[smem:$0x3FBA] =	sst s0  }
0x18: {  	s0 =	sld [smem:$0x3F9D];
	_ =	swait.ge [sflag:s4], $0x0  }
0x19: {  	s7 =	sld [smem:$0x3F9E]  }
0x1a: {  	s8 =	sadd.s32 $0xFFFFE003, lr  }
0x1b: {  	s9 =	sadd.s32 $0xFFFFFEF7, lr;
	s5 =	simm.s32 $0xFFFFFFFF;
	p2 =	slt.u32 s8, $0xFFFFF086  }
0x1c: {  	p1 =	slt.u32 s9, $0xF7A;
	s5 =	simm.s32 @!p2 $0x0  }
0x1d: {  	s5 =	simm.s32 @p1 $0x1;
	p0 =	seq.s32 s7, s2  }
0x1e: {  	s7 =	smul.u32 @!p0 $0xF7A, s2;
	p2 =	seq.s32 @!p0 s5, $0x0  }
0x1f: {  	s9 =	smul.u32 $0xF7A, s1;
	s8 =	simm.s32 @!p0 $0x1BF5;
	p2 =	por !p2, p0  }
0x20: {  	[sflag:s8] =	ssyncset.s32 @!p0 $0xFFFFF086;
	s6 =	sadd.s32 @!p0 s3, s7;
	s7 =	simm.s32 @!p0 $0x108  }
0x21: {  	s3 =	sadd.s32 s3, s9;
	s6 =	sadd.s32 @!p0 $0x88, s6;
	s7 =	simm.s32 @p2 $0x1082  }
0x22: {  	[simem:s7], [sflag:s8] =	dma.local @!p0 [hbm:s6], $0xF7A  }
0x23: {  	s9 =	sor.u32 $0xD0000000, s2;
	s6 =	simm.s32 $0x108;
	_ =	swait.ge @!p0 [sflag:s8], $0x0  }
0x24: {  	s3 =	sadd.s32 $0x88, s3;
	s6 =	simm.s32 @!p1 $0x1082;
	[sflag:s4] =	ssyncset.s32 $0xFFFFF086  }
0x25: {  	[simem:s6], [sflag:s4] =	dma.local [hbm:s3], $0xF7A  }
0x26: {  	[smem:$0x3F9E] =	sst s1;
	(tag) =	ssettag s2;
	_ =	strace s9  }
0x27: {  	s1 =	sld [smem:$0x3FAE]  }
0x28: {  	s2 =	sld [smem:$0x3FAF]  }
0x29: {  	s4 =	sld [smem:$0x3FB1]  }
0x2a: {  	p0 =	seq.s32 s5, $0x0;
	s5 =	sld [smem:$0x3FB2]  }
0x2b: {  	s6 =	sld [smem:$0x3FB3]  }
0x2c: {  	s7 =	sld [smem:$0x3FB4]  }
0x2d: {  	s3 =	simm.s32 $0x108;
	s8 =	sld [smem:$0x3FB5]  }
0x2e: {  	s3 =	simm.s32 @!p0 $0x1082;
	s9 =	sld [smem:$0x3FB6]  }
0x2f: {  	lr =	sadd.s32 s0, s3;
	s0 =	sld [smem:$0x3FAD]  }
0x30: {  	s3 =	sld [smem:$0x3FB0]  }
0x31: {  	[smem:$0x3FB9] =	sst s10  }
0x32: {  	s10 =	sld [smem:$0x3FB7];
	_ =	sdelay $0x3  }
0x33: {  	p0 =	seq.s32 s10, $0x1;
	s10 =	sld [smem:$0x3FB9];
	_ =	sdelay $0x3  }
0x34: {  	[smem:$0x3FB9] =	sst s10  }
0x35: {  	s10 =	sld [smem:$0x3FB8];
	_ =	sdelay $0x3  }
0x36: {  	p1 =	seq.s32 s10, $0x1;
	s10 =	sld [smem:$0x3FB9];
	_ =	sdelay $0x3  }
0x37: {  	[smem:$0x3FB9] =	sst s10  }
0x38: {  	s10 =	sld [smem:$0x3FBA]  }
0x39: {  	_ = 	snop;
	(pc) =	sbr.ind lr, $3  }
0x3a: {  	_ = 	snop  }
0x3b: {  	_ = 	snop  }
0x3c: {  	p2 =	seq.s32 s10, $0x1;
	s10 =	sld [smem:$0x3FB9]  }
0x3d: {  	_ =	shalt  }
0x3e: {  	_ =	shalt  }
0x3f: {  	_ =	shalt  }
0x40: {  	_ =	shalt  }
0x41: {  	_ =	shalt  }
0x42: {  	_ =	shalt  }
0x43: {  	_ =	shalt  }
0x44: {  	_ =	shalt  }
0x45: {  	_ =	shalt  }
0x46: {  	_ =	shalt  }
0x47: {  	_ =	shalt  }
0x48: {  	_ =	shalt  }
0x49: {  	_ =	shalt  }
0x4a: {  	_ =	shalt  }
0x4b: {  	_ =	shalt  }
0x4c: {  	_ =	shalt  }
0x4d: {  	_ =	shalt  }
0x4e: {  	_ =	shalt  }
0x4f: {  	_ =	shalt  }
0x50: {  	_ =	shalt  }
0x51: {  	_ =	shalt  }
0x52: {  	_ =	shalt  }
0x53: {  	_ =	shalt  }
0x54: {  	_ =	shalt  }
0x55: {  	_ =	shalt  }
0x56: {  	_ =	shalt  }
0x57: {  	_ =	shalt  }
0x58: {  	_ =	shalt  }
0x59: {  	_ =	shalt  }
0x5a: {  	_ =	shalt  }
0x5b: {  	_ =	shalt  }
0x5c: {  	_ =	shalt  }
0x5d: {  	_ =	shalt  }
0x5e: {  	_ =	shalt  }
0x5f: {  	_ =	shalt  }
0x60: {  	_ =	shalt  }
0x61: {  	_ =	shalt  }
0x62: {  	_ =	shalt  }
0x63: {  	_ =	shalt  }
0x64: {  	_ =	shalt  }
0x65: {  	_ =	shalt  }
0x66: {  	_ =	shalt  }
0x67: {  	_ =	shalt  }
0x68: {  	_ =	shalt  }
0x69: {  	_ =	shalt  }
0x6a: {  	_ =	shalt  }
0x6b: {  	_ =	shalt  }
0x6c: {  	_ =	shalt  }
0x6d: {  	_ =	shalt  }
0x6e: {  	_ =	shalt  }
0x6f: {  	_ =	shalt  }
0x70: {  	_ =	shalt  }
0x71: {  	_ =	shalt  }
0x72: {  	_ =	shalt  }
0x73: {  	_ =	shalt  }
0x74: {  	_ =	shalt  }
0x75: {  	_ =	shalt  }
0x76: {  	_ =	shalt  }
0x77: {  	_ =	shalt  }
0x78: {  	_ =	shalt  }
0x79: {  	_ =	shalt  }
0x7a: {  	_ =	shalt  }
0x7b: {  	_ =	shalt  }
0x7c: {  	_ =	shalt  }
0x7d: {  	_ =	shalt  }
0x7e: {  	_ =	shalt  }
0x7f: {  	_ =	shalt  }
0x80: {  	_ =	shalt  }
0x81: {  	_ =	shalt  }
0x82: {  	_ =	shalt  }
0x83: {  	_ =	shalt  }
0x84: {  	_ =	shalt  }
0x85: {  	_ =	shalt  }
0x86: {  	_ =	shalt  }
0x87: {  	_ =	shalt  }
.Lfunc_end0:
.L_simem_size_0:
called_computation_lowered:
.L_overlay_start_0:
0x88: {  	s2 =	sld [smem:$0x3FD9]  }
0x89: {  	s3 =	sld [smem:$0x3FFE];
	_ =	sdelay $0x1  }
0x8a: {  	s1 =	srdreg.scid  }
0x8b: {  	s0 =	sand.u32 $0x1, s1  }
0x8c: {  	s17 =	sshll.u32 s0, $0xA;
	s2 =	sadd.s32 s3, s2  }
0x8d: {  	s2 =	sadd.s32 s2, s17  }
0x8e: {  	[smem:$0x3FC5] =	sst s2  }
0x8f: {  	_ = 	snop  }
0x90: {  	s2 =	sld [smem:$0x3FC9]  }
0x91: {  	s18 =	sld [smem:$0x3FD0];
	(tm) =	ssettm $0x1  }
0x92: {  	s4 =	sld [smem:$0x3FFB];
	_ =	sdelay $0x3  }
0x93: {  	_ =	strace s4  }
0x94: {  	s4 =	sld [smem:$0x3FFC];
	_ =	sdelay $0x3  }
0x95: {  	_ =	strace s4  }
0x96: {  	s4 =	sld [smem:$0x3FFD];
	_ =	sdelay $0x3  }
0x97: {  	_ =	strace s4  }
0x98: {  	_ =	strace $0x8FFFFFFF  }
0x99: {  	s19 =	sld [smem:$0x3FDB];
	_ =	sdelay $0x1  }
0x9a: {  	s5 =	simm.s32 $_scs_section_size  }
0x9b: {  	s6 =	simm.s32 $_size__tile_overlayer_lowered;
	s7 =	simm.s32 $_tile_overlayer_lowered  }
0x9c: {  	s22 =	simm.s32 $0x1BFF;
	s21 =	sshll.u32 s7, $0x1;
	s4 =	sadd.s32 s5, s19  }
0x9d: {  	s8 =	simm.s32 $0x0;
	s20 =	sshll.u32 s6, $0x1;
	s6 =	sadd.s32 s21, s4  }
0x9e: {  	[timem:s8], [sflag:s22] =	dma.local [hbm:s6], s20  }
0x9f: {  	_ =	swait.ge [sflag:s22], s20  }
0xa0: {  	s5 =	ssub.s32 $0x0, s20;
	[sflag:s22] =	ssyncset.done $0x0  }
0xa1: {  	[sflag:s22] =	ssyncadd.s32 s5;
	_ =	sdelay $0x1  }
0xa2: {  	s23 =	simm.s32 $0x1B8B  }
0xa3: {  	_ =	swait.ge [sflag:s23], $0x1  }
0xa4: {  	[sflag:s23] =	ssyncset.done $0x0  }
0xa5: {  	s25 =	simm.s32 $0x1B8E;
	s24 =	sld [smem:$0x3FFE];
	[sflag:s23] =	ssyncadd.s32 $0xFFFFFFFF  }
0xa6: {  	s26 =	simm.s32 $execute0_lowered;
	[smem:$0x3FD2] =	sst s25  }
0xa7: {  	s6 =	sshll.u32 s26, $0x1;
	_ =	strace $0x80000046;
	[dreg:$0x1] =	wrdreg $0xFFFFFFFF  }
0xa8: {  	s28 =	simm.s32 $_size_execute0_lowered;
	s4 =	sadd.s32 s4, s6;
	[dreg:$0x0] =	wrdreg $0x0  }
0xa9: {  	s6 =	sshll.u32 s28, $0x1;
	[dreg:$0x2] =	wrdreg s4  }
0xaa: {  	[dreg:$0x3] =	wrdreg s6  }
0xab: {  	[dreg:$0x4] =	wrdreg $0xC0  }
0xac: {  	_ =	task [dreg:s8], $0x5FFFF  }
0xad: {  	[dreg:$0x1] =	wrdreg $0xFFFFFFFF  }
0xae: {  	[dreg:$0x0] =	wrdreg $0x60  }
0xaf: {  	[dreg:$0x2] =	wrdreg s2  }
0xb0: {  	[dreg:$0x3] =	wrdreg s24  }
0xb1: {  	[dreg:$0x4] =	wrdreg s18  }
0xb2: {  	[dreg:$0x5] =	wrdreg $0x9  }
0xb3: {  	_ =	task.clear_ibuf [dreg:s8], $0x6FFFF;
	_ =	strace $0x90000046  }
0xb4: {  	s29 =	simm.s32 $0x9;
	_ =	strace $0x80000048  }
0xb5: {  	_ =	swait.ge [sflag:s29], $0x1  }
0xb6: {  	[sflag:s29] =	ssyncadd.s32 $0xFFFFFFFF  }
0xb7: {  	_ =	strace $0x90000048  }
0xb8: {  	_ =	sfence  }
0xb9: {  	s30 =	sld [smem:$0x0];
	_ =	sdelay $0x2  }
0xba: {  	s31 =	sshll.u32 s1, $0xD;
	s1 =	sshrl.u32 s1, $0x2  }
0xbb: {  	s3 =	sand.u32 $0x4000, s31;
	s1 =	sadd.s32 s1, s30  }
0xbc: {  	s0 =	sor.u32 s3, s0;
	s1 =	sshll.u32 s1, $0x11  }
0xbd: {  	s0 =	sor.u32 s1, s0  }
0xbe: {  	s0 =	sadd.s32 $0x8F2B, s0  }
0xbf: {  	[sflag:s0] =	ssyncadd.remote.s32 $0x1  }
0xc0: {  	_ =	sfence.sel $0xFFFF  }
0xc1: {  	[dreg:$0x0] =	wrdreg $0xFFFFFFFF;
	(pc) =	sbr.abs _section_cstart, $3  }
0xc2: {  	[dreg:$0x1] =	wrdreg $0xFFFFFFFF  }
0xc3: {  	_ =	task.clear_ibuf [dreg:s8], $0x2FFFF;
	_ =	strace $0x9FFFFFFF  }
0xc4: {  	(tm) =	ssettm $0x7FFFFFFF  }
0xc5: {  	_ =	shalt  }
tec
execute0_lowered:
.L_overlay_start_1:
0x0: {  	(tag) =	ssettag $0x1  }
0x1: {  	s1 =	rddreg [dreg:$0x0]  }
0x2: {  	s4 =	rddreg [dreg:$0x1]  }
0x3: {  	s5 =	rddreg [dreg:$0x2];
	s3 =	srdreg.scid  }
0x4: {  	s0 =	rddreg [dreg:$0x3];
	s2 =	stileid.u32;
	s10 =	simm.s32 $0x1080  }
0x5: {  	s11 =	simm.s32 $0x1880;
	s12 =	simm.s32 $0x1;
	s6 =	sand.u32 $0x1, s3  }
0x6: {  	s3 =	simm.s32 $0x0;
	s7 =	sshll.u32 s2, $0x6;
	s8 =	sshll.u32 s6, $0x5  }
0x7: {  	[smem:$0x7FF] =	sst s3;
	s6 =	ssub.s32 $0x2, s6;
	s7 =	sor.u32 s8, s7  }
0x8: {  	_ =	strace $0x80000047;
	s9 =	sshrl.u32 s6, $0x1;
	s8 =	sshrl.u32 s7, $0x3  }
0x9: {  	v2 =	vlaneseq.u32;
	s6 =	ssub.s32 s6, s9;
	s7 =	sshll.u32 s7, $0x5;
	s9 =	simm.s32 $0x880  }
0xa: {  	vm0 =	vmmov $0xffff;
	v1 =	vshrl.u32 v2, $0x3;
	s4 =	sadd.s32 s8, s4;
	s5 =	sadd.s32 s5, s7;
	s6 =	smax.u32 s6, $0x1  }
0xb: {  	v0 =	vand.u32 $0x7, v2;
	v2 =	vor.u32 $0x8, v2;
	v1 =	vmul.u32 $0x8, v1;
	s7 =	simm.s32 $0x2;
	s8 =	simm.s32 $0x80;
	s4 =	sadd.s32 $0x1000, s4  }
.LBB2_1:
0xc: {  	[tilespmem:s3], [sflag:$0x2] =	stream.linear.gather [hbm4b:s4+s3], $0x20, $0x38;
	[tilespmem:$0x2080] =	vst v63  }
0xd: {  	_ =	swait.ge [sflag:s7], $0x20  }
0xe: {  	[sflag:s7] =	ssyncset.done $0x0  }
0xf: {  	[sflag:s7] =	ssyncadd.s32 $0xFFFFFFE0  }
0x10: {  	v3 =	vld [tilespmem:$0x0];
	_ =	sdelay $0x4  }
0x11: {  	v4 =	vshll.u32 v3, $0x1  }
0x12: {  	v3 =	vand.u32 $0x7, v3;
	v4 =	vand.u32 $0xFFFFFFF0, v4  }
0x13: {  	v3 =	vor.u32 v3, v4  }
0x14: {  	v4 =	vperm.xlane v3, v0;
	_ =	sdelay $0x1  }
0x15: {  	v3 =	vperm.xlane v3, v2;
	v4 =	vadd.s32 v1, v4;
	_ =	sdelay $0x1  }
0x16: {  	v3 =	vadd.s32 v1, v3;
	_ =	sdelay $0x2  }
0x17: {  	[tilespmem:s8], [sflag:$0x1] =	stream.indirect_vreg.gather [hbm4b:s1+s3], $0x80, v4, vm0, $0xb8;
	[tilespmem:$0x2080] =	vst v63  }
0x18: {  	_ = 	snop  }
0x19: {  	[tilespmem:s9], [sflag:$0x1] =	stream.indirect_vreg.gather [hbm4b:s1+s3], $0x80, v3, vm0, $0xb8;
	[tilespmem:$0x2080] =	vst v63  }
0x1a: {  	v3 =	vld [tilespmem:$0x10];
	_ =	sdelay $0x4  }
0x1b: {  	v63 =	vshll.u32 v3, $0x1  }
0x1c: {  	v3 =	vand.u32 $0x7, v3;
	v4 =	vand.u32 $0xFFFFFFF0, v63  }
0x1d: {  	v3 =	vor.u32 v3, v4  }
0x1e: {  	v4 =	vperm.xlane v3, v0;
	_ =	sdelay $0x1  }
0x1f: {  	v3 =	vperm.xlane v3, v2;
	v4 =	vadd.s32 v1, v4;
	_ =	sdelay $0x1  }
0x20: {  	v3 =	vadd.s32 v1, v3;
	_ =	sdelay $0x2  }
0x21: {  	[tilespmem:s10], [sflag:$0x1] =	stream.indirect_vreg.gather [hbm4b:s1+s3], $0x80, v4, vm0, $0xb8;
	[tilespmem:$0x2080] =	vst v63  }
0x22: {  	_ = 	snop  }
0x23: {  	[tilespmem:s11], [sflag:$0x1] =	stream.indirect_vreg.gather [hbm4b:s1+s3], $0x80, v3, vm0, $0xb8;
	[tilespmem:$0x2080] =	vst v63  }
0x24: {  	_ =	swait.ge [sflag:s12], $0x2000  }
0x25: {  	p0 =	sne.s32 s6, $0x1;
	[sflag:s12] =	ssyncset.done $0x0  }
.Ltmp0:
0x26: {  	[sflag:s12] =	ssyncadd.s32 $0xFFFFE000;
	(pc) =	sbr.rel @p0 .LBB2_1-.Ltmp0, $4  }
0x27: {  	[hbm4b:s5+s3] =	stream.linear.scatter [tilespmem:s8], [sflag:$0x2], $0x2000, $0x38;
	[tilespmem:$0x2080] =	vst v63  }
0x28: {  	_ =	swait.ge [sflag:s7], $0x2000  }
0x29: {  	[sflag:s7] =	ssyncset.done $0x0  }
0x2a: {  	s6 =	sadd.s32 $0xFFFFFFFF, s6;
	[sflag:s7] =	ssyncadd.s32 $0xFFFFE000  }
0x2b: {  	_ =	sfence.sel $0x180000  }
0x2c: {  	[bflag:$0x0] =	sbarrier.arrive $0xFFFF  }
0x2d: {  	p0 =	sne.s32 s2, $0x0;
	_ =	strace $0x90000047  }
0x2e: {  	s0 =	sadd.s32 @!p0 $0x100000, s0;
	[bflag:$0x2] =	sbarrier.arrive $0xFFFF  }
0x2f: {  	[sflag:s0] =	ssyncadd.tile.s32 @!p0 $0x1;
	_ =	shalt  }
.Lfunc_end2:
_tile_overlayer_lowered:
.L_overlay_start_2:
0x30: {  	(tag) =	ssettag $0x2  }
0x31: {  	s0 =	rddreg [dreg:$0x0];
	s2 =	stileid.u32  }
0x32: {  	s1 =	rddreg [dreg:$0x1];
	p0 =	sne.s32 s2, $0x0  }
0x33: {  	s3 =	rddreg [dreg:$0x2];
	[bflag:$0x3] =	sbarrier.arrive $0xFFFF;
	s2 =	simm.s32 @!p0 $0x1C02  }
0x34: {  	[timem:s3], [sflag:s2] =	dma.local @!p0 [hbm:s0], s1  }
0x35: {  	s0 =	simm.s32 @!p0 $0x2  }
0x36: {  	_ =	swait.ge @!p0 [sflag:s0], s1  }
0x37: {  	s1 =	ssub.s32 @!p0 $0x0, s1;
	[sflag:s0] =	ssyncset.done @!p0 $0x0  }
0x38: {  	[sflag:s0] =	ssyncadd.s32 @!p0 s1  }
0x39: {  	[bflag:$0x3] =	sbarrier.arrive $0xFFFF  }
0x3a: {  	_ =	shalt  }

</sc_bundles>
